<compile_context>
chip_gen: v7x
topology: tpu7x:2x2x1
jax: 0.10.2.dev20260603
libtpu: 0.0.44.dev20260713+nightly
codegen_flags: <defaults>
</compile_context>

<pallas_src>
import functools

import jax
import jax.numpy as jnp
from jax.experimental import pallas as pl
from jax.experimental.pallas import tpu as pltpu

LOAD_COEFF = 0.01
TMG_MAX = 512


def _router_kernel(flat_ref, wr_ref, u_ref, spec_ref, gen_ref,
                   eid_ref, p2_ref, bal_ref):
    flat = flat_ref[...]
    logits = jax.lax.dot_general(
        flat, wr_ref[...], (((1,), (1,)), ((), ())),
        preferred_element_type=jnp.float32,
    )
    u = jnp.clip(u_ref[...], 0.0, 1.0)
    logits = logits + u * spec_ref[...] + (1.0 - u) * gen_ref[...]
    m = jnp.max(logits, axis=-1, keepdims=True)
    ex = jnp.exp(logits - m)
    sm = ex / jnp.sum(ex, axis=-1, keepdims=True)

    bt, e = sm.shape
    iota = jax.lax.broadcasted_iota(jnp.int32, (bt, e), 1)
    p0 = jnp.max(sm, axis=-1, keepdims=True)
    i0 = jnp.min(jnp.where(sm == p0, iota, e), axis=-1, keepdims=True)
    mask0 = iota == i0
    sm2 = jnp.where(mask0, -1.0, sm)
    p1 = jnp.max(sm2, axis=-1, keepdims=True)
    i1 = jnp.min(jnp.where(sm2 == p1, iota, e), axis=-1, keepdims=True)

    eid_ref[...] = jnp.concatenate([i0, i1], axis=1)
    p2_ref[...] = jnp.concatenate([p0, p1], axis=1)

    mean_sm = jnp.mean(sm, axis=0, keepdims=True)
    bal_ref[...] = jnp.sum(mean_sm * mean_sm, axis=1,
                           keepdims=True) * (e * LOAD_COEFF)


def _ffn_kernel(info_ref, xg_ref, wg_ref, wu_ref, wd_ref, y_ref,
                *, n_expert_tiles, n_tiles):
    i = pl.program_id(0)
    n_act = info_ref[n_tiles]
    active = jnp.logical_or(i >= n_expert_tiles, i < n_act)

    @pl.when(active)
    def _():
        x = xg_ref[...]
        g = jax.lax.dot_general(x, wg_ref[0], (((1,), (1,)), ((), ())),
                                preferred_element_type=jnp.float32)
        u = jax.lax.dot_general(x, wu_ref[0], (((1,), (1,)), ((), ())),
                                preferred_element_type=jnp.float32)
        h = (g * jax.lax.logistic(g) * u).astype(jnp.bfloat16)
        y_ref[...] = jax.lax.dot_general(
            h, wd_ref[0], (((1,), (1,)), ((), ())),
            preferred_element_type=jnp.float32)


def kernel(x, U, W_r, spec_bias, gen_bias, Wg, Wu, Wd, Sg, Su, Sd):
    B, T, D = x.shape
    E, MID, _ = Wg.shape
    SH = Sg.shape[0]
    BT = B * T
    NS = BT * 2
    TMG = min(TMG_MAX, BT)

    flat = x.reshape(BT, D)
    eid2, p2, bal = pl.pallas_call(
        _router_kernel,
        out_shape=[
            jax.ShapeDtypeStruct((BT, 2), jnp.int32),
            jax.ShapeDtypeStruct((BT, 2), jnp.float32),
            jax.ShapeDtypeStruct((1, 1), jnp.float32),
        ],
    )(flat, W_r, U.reshape(BT, 1), spec_bias.reshape(1, E),
      gen_bias.reshape(1, E))

    n_expert_tiles = NS // TMG + (E - 1)
    n_shared_tiles = (BT * SH) // TMG
    n_tiles = n_expert_tiles + n_shared_tiles
    shared_base = n_expert_tiles * TMG
    padmax = n_tiles * TMG

    eid_flat = eid2.reshape(NS)
    onehot = (eid_flat[:, None]
              == jnp.arange(E, dtype=jnp.int32)[None, :]).astype(jnp.int32)
    incl = jnp.cumsum(onehot, axis=0)
    rank = jnp.sum((incl - onehot) * onehot, axis=1)
    counts = incl[-1]
    tiles_e = (counts + TMG - 1) // TMG
    bounds = jnp.cumsum(tiles_e)
    padded_off = (bounds - tiles_e) * TMG
    n_act = bounds[E - 1]

    padpos = jnp.sum(onehot * padded_off[None, :], axis=1) + rank
    slot_tok = jnp.arange(NS, dtype=jnp.int32) // 2
    tok_pad = jnp.zeros((padmax,), jnp.int32).at[padpos].set(slot_tok)
    tok_pad = tok_pad.at[shared_base:].set(
        jnp.tile(jnp.arange(BT, dtype=jnp.int32), SH))
    pos2 = padpos.reshape(BT, 2)

    tile_ids = jnp.arange(n_expert_tiles, dtype=jnp.int32)
    te = jnp.sum((tile_ids[:, None] >= bounds[None, :]).astype(jnp.int32),
                 axis=1)
    te_last = jnp.sum((bounds <= n_act - 1).astype(jnp.int32))
    te = jnp.where(tile_ids < n_act, te, te_last)
    sh_te = E + jnp.arange(n_shared_tiles, dtype=jnp.int32) // (BT // TMG)
    info = jnp.concatenate([te, sh_te, n_act.reshape(1)])

    xg = flat.astype(jnp.bfloat16)[tok_pad]

    WgA = jnp.concatenate([Wg, Sg], axis=0).astype(jnp.bfloat16)
    WuA = jnp.concatenate([Wu, Su], axis=0).astype(jnp.bfloat16)
    WdA = jnp.concatenate([Wd, Sd], axis=0).astype(jnp.bfloat16)

    grid_spec = pltpu.PrefetchScalarGridSpec(
        num_scalar_prefetch=1,
        grid=(n_tiles,),
        in_specs=[
            pl.BlockSpec((TMG, D), lambda i, info: (i, 0)),
            pl.BlockSpec((1, MID, D), lambda i, info: (info[i], 0, 0)),
            pl.BlockSpec((1, MID, D), lambda i, info: (info[i], 0, 0)),
            pl.BlockSpec((1, D, MID), lambda i, info: (info[i], 0, 0)),
        ],
        out_specs=pl.BlockSpec((TMG, D), lambda i, info: (i, 0)),
    )
    y = pl.pallas_call(
        functools.partial(_ffn_kernel, n_expert_tiles=n_expert_tiles,
                          n_tiles=n_tiles),
        grid_spec=grid_spec,
        out_shape=jax.ShapeDtypeStruct((padmax, D), jnp.float32),
        compiler_params=pltpu.CompilerParams(
            vmem_limit_bytes=64 * 1024 * 1024),
    )(info, xg, WgA, WuA, WdA)

    out = p2[:, 0:1] * y[pos2[:, 0]] + p2[:, 1:2] * y[pos2[:, 1]]
    for si in range(SH):
        base = shared_base + si * BT
        out = out + y[base:base + BT]

    return out.reshape(B, T, D), bal[0, 0]

# --- scband reference (transcript-rebuilt; emitter-appended) ---
"""Pipeline reference for scband-uwmrmo-e-85882166051157 (READ-ONLY COPY).

The authoritative reference and input builder live on the scoring server;
editing this copy changes nothing except your own understanding.
"""

import jax, jax.numpy as jnp
import numpy as np

B, T, D = 1, 2048, 1024
E, TOPK, SH, MID = 8, 2, 1, 2048
LOAD_COEFF = 0.01


def _swiglu(x, Wg, Wu, Wd):
    # torch: down(silu(gate(x)) * up(x)); Linear(in,out,bias=False) weight is (out,in), applied as x @ W.T
    return (jax.nn.silu(x @ Wg.T) * (x @ Wu.T)) @ Wd.T


def setup_inputs(seed: int = 0) -> dict:
    key = jax.random.key(seed)
    ks = jax.random.split(key, 12)
    s_in = 1.0 / np.sqrt(D)
    s_mid = 1.0 / np.sqrt(MID)
    return {
        "x": jax.random.normal(ks[0], (B, T, D), dtype=jnp.float32),
        "U": jax.random.uniform(ks[1], (B, T), dtype=jnp.float32),
        "W_r": jax.random.normal(ks[2], (E, D), dtype=jnp.float32) * s_in,
        "spec_bias": jax.random.normal(ks[3], (E,), dtype=jnp.float32) * 0.02,
        "gen_bias": jax.random.normal(ks[4], (E,), dtype=jnp.float32) * 0.02,
        "Wg": jax.random.normal(ks[5], (E, MID, D), dtype=jnp.float32) * s_in,
        "Wu": jax.random.normal(ks[6], (E, MID, D), dtype=jnp.float32) * s_in,
        "Wd": jax.random.normal(ks[7], (E, D, MID), dtype=jnp.float32) * s_mid,
        "Sg": jax.random.normal(ks[8], (SH, MID, D), dtype=jnp.float32) * s_in,
        "Su": jax.random.normal(ks[9], (SH, MID, D), dtype=jnp.float32) * s_in,
        "Sd": jax.random.normal(ks[10], (SH, D, MID), dtype=jnp.float32) * s_mid,
    }


def reference(x, U, W_r, spec_bias, gen_bias, Wg, Wu, Wd, Sg, Su, Sd):
    BT = B * T
    flat = x.reshape(BT, D)
    logits = flat @ W_r.T
    u = jnp.clip(U.reshape(BT, 1), 0.0, 1.0)
    logits = logits + u * spec_bias + (1.0 - u) * gen_bias
    sm = jax.nn.softmax(logits, axis=-1)
    probs, idx = jax.lax.top_k(sm, TOPK)
    bal_loss = E * jnp.sum(jnp.mean(sm, axis=0) ** 2) * LOAD_COEFF
    out = jnp.zeros_like(flat)
    # Faithful to torch double loop: expert_o is identical across ki, so compute once per
    # expert and sum the (idx==ei)*probs weights over the top-k slots (same math).
    for ei in range(E):
        w = jnp.sum(jnp.where(idx == ei, probs, 0.0), axis=1, keepdims=True)
        out = out + _swiglu(flat, Wg[ei], Wu[ei], Wd[ei]) * w
    for si in range(SH):
        out = out + _swiglu(flat, Sg[si], Su[si], Sd[si])
    return out.reshape(B, T, D), bal_loss

if __name__ == "__main__":
    import jax
    _d = setup_inputs()
    print(jax.jit(kernel)(*tuple(_d.values())))

</pallas_src>

<mosaic_0001>
module attributes {stable_mosaic.version = 14 : i64} {
  func.func @_router_kernel(%arg0: memref<2048x1024xf32, #tpu.memory_space<vmem>>, %arg1: memref<8x1024xf32, #tpu.memory_space<vmem>>, %arg2: memref<2048x1xf32, #tpu.memory_space<vmem>>, %arg3: memref<1x8xf32, #tpu.memory_space<vmem>>, %arg4: memref<1x8xf32, #tpu.memory_space<vmem>>, %arg5: memref<2048x2xi32, #tpu.memory_space<vmem>>, %arg6: memref<2048x2xf32, #tpu.memory_space<vmem>>, %arg7: memref<1x1xf32, #tpu.memory_space<vmem>>) attributes {dimension_semantics = [], scalar_prefetch = 0 : i64, scratch_operands = 0 : i64, tpu.core_type = #tpu.core_type<tc>} {
    %get3A = arith.constant 0 : index
    %get3A_0 = arith.constant 0 : index
    %get3A_1 = vector.load %arg0[%get3A, %get3A_0] : memref<2048x1024xf32, #tpu.memory_space<vmem>>, vector<2048x1024xf32>
    %get3A_2 = arith.constant 0 : index
    %get3A_3 = arith.constant 0 : index
    %get3A_4 = vector.load %arg1[%get3A_2, %get3A_3] : memref<8x1024xf32, #tpu.memory_space<vmem>>, vector<8x1024xf32>
    %dot_general3A = arith.constant dense<0.000000e+00> : vector<2048x8xf32>
    %dot_general3A_5 = tpu.matmul %get3A_1, %get3A_4, %dot_general3A {dimension_numbers = #tpu.dot_dimension_numbers<[1], [1], [0], [0], [0, 0, 1, 0], [], []>, transpose_lhs_hint = false} : vector<2048x1024xf32>, vector<8x1024xf32>, vector<2048x8xf32> -> vector<2048x8xf32>
    %get3A_6 = arith.constant 0 : index
    %get3A_7 = arith.constant 0 : index
    %get3A_8 = vector.load %arg2[%get3A_6, %get3A_7] : memref<2048x1xf32, #tpu.memory_space<vmem>>, vector<2048x1xf32>
    %jit3A = arith.constant 0.000000e+00 : f32
    %jit3A_9 = arith.constant 1.000000e+00 : f32
    %max3A = vector.broadcast %jit3A : f32 to vector<2048x1xf32>
    %max3A_10 = arith.maximumf %max3A, %get3A_8 : vector<2048x1xf32>
    %min3A = vector.broadcast %jit3A_9 : f32 to vector<2048x1xf32>
    %min3A_11 = arith.minimumf %min3A, %max3A_10 : vector<2048x1xf32>
    %get3A_12 = arith.constant 0 : index
    %get3A_13 = arith.constant 0 : index
    %get3A_14 = vector.load %arg3[%get3A_12, %get3A_13] : memref<1x8xf32, #tpu.memory_space<vmem>>, vector<1x8xf32>
    %mul3A = vector.broadcast %min3A_11 : vector<2048x1xf32> to vector<2048x8xf32>
    %mul3A_15 = vector.broadcast %get3A_14 : vector<1x8xf32> to vector<2048x8xf32>
    %mul3A_16 = arith.mulf %mul3A, %mul3A_15 : vector<2048x8xf32>
    %add3A = arith.addf %dot_general3A_5, %mul3A_16 : vector<2048x8xf32>
    %sub3A = arith.constant 1.000000e+00 : f32
    %sub3A_17 = vector.broadcast %sub3A : f32 to vector<2048x1xf32>
    %sub3A_18 = arith.subf %sub3A_17, %min3A_11 : vector<2048x1xf32>
    %get3A_19 = arith.constant 0 : index
    %get3A_20 = arith.constant 0 : index
    %get3A_21 = vector.load %arg4[%get3A_19, %get3A_20] : memref<1x8xf32, #tpu.memory_space<vmem>>, vector<1x8xf32>
    %mul3A_22 = vector.broadcast %sub3A_18 : vector<2048x1xf32> to vector<2048x8xf32>
    %mul3A_23 = vector.broadcast %get3A_21 : vector<1x8xf32> to vector<2048x8xf32>
    %mul3A_24 = arith.mulf %mul3A_22, %mul3A_23 : vector<2048x8xf32>
    %add3A_25 = arith.addf %add3A, %mul3A_24 : vector<2048x8xf32>
    %reduce_max3A = arith.constant dense<0xFF800000> : vector<2048xf32>
    %reduce_max3A_26 = vector.multi_reduction <maximumf>, %add3A_25, %reduce_max3A [1] : vector<2048x8xf32> to vector<2048xf32>
    %broadcast_in_dim3A = vector.shape_cast %reduce_max3A_26 : vector<2048xf32> to vector<2048x1xf32>
    %sub3A_27 = vector.broadcast %broadcast_in_dim3A : vector<2048x1xf32> to vector<2048x8xf32>
    %sub3A_28 = arith.subf %add3A_25, %sub3A_27 : vector<2048x8xf32>
    %exp3A = math.exp %sub3A_28 : vector<2048x8xf32>
    %reduce_sum3A = arith.constant dense<0.000000e+00> : vector<2048xf32>
    %reduce_sum3A_29 = vector.multi_reduction <add>, %exp3A, %reduce_sum3A [1] : vector<2048x8xf32> to vector<2048xf32>
    %broadcast_in_dim3A_30 = vector.shape_cast %reduce_sum3A_29 : vector<2048xf32> to vector<2048x1xf32>
    %div3A = vector.broadcast %broadcast_in_dim3A_30 : vector<2048x1xf32> to vector<2048x8xf32>
    %div3A_31 = arith.divf %exp3A, %div3A : vector<2048x8xf32>
    %iota3A = tpu.iota {dimensions = array<i32: 1>} : vector<2048x8xi32>
    %reduce_max3A_32 = arith.constant dense<0xFF800000> : vector<2048xf32>
    %reduce_max3A_33 = vector.multi_reduction <maximumf>, %div3A_31, %reduce_max3A_32 [1] : vector<2048x8xf32> to vector<2048xf32>
    %broadcast_in_dim3A_34 = vector.shape_cast %reduce_max3A_33 : vector<2048xf32> to vector<2048x1xf32>
    %eq3A = vector.broadcast %broadcast_in_dim3A_34 : vector<2048x1xf32> to vector<2048x8xf32>
    %eq3A_35 = arith.cmpf oeq, %div3A_31, %eq3A : vector<2048x8xf32>
    %jit3A_36 = arith.constant 8 : i32
    %broadcast_in_dim3A_37 = vector.broadcast %jit3A_36 : i32 to vector<2048x8xi32>
    %select_n3A = arith.select %eq3A_35, %iota3A, %broadcast_in_dim3A_37 : vector<2048x8xi1>, vector<2048x8xi32>
    %reduce_min3A = arith.constant dense<2147483647> : vector<2048xi32>
    %reduce_min3A_38 = vector.multi_reduction <minsi>, %select_n3A, %reduce_min3A [1] : vector<2048x8xi32> to vector<2048xi32>
    %broadcast_in_dim3A_39 = vector.shape_cast %reduce_min3A_38 : vector<2048xi32> to vector<2048x1xi32>
    %eq3A_40 = vector.broadcast %broadcast_in_dim3A_39 : vector<2048x1xi32> to vector<2048x8xi32>
    %eq3A_41 = arith.cmpi eq, %iota3A, %eq3A_40 : vector<2048x8xi32>
    %jit3A_42 = arith.constant -1.000000e+00 : f32
    %broadcast_in_dim3A_43 = vector.broadcast %jit3A_42 : f32 to vector<2048x8xf32>
    %select_n3A_44 = arith.select %eq3A_41, %broadcast_in_dim3A_43, %div3A_31 : vector<2048x8xi1>, vector<2048x8xf32>
    %reduce_max3A_45 = arith.constant dense<0xFF800000> : vector<2048xf32>
    %reduce_max3A_46 = vector.multi_reduction <maximumf>, %select_n3A_44, %reduce_max3A_45 [1] : vector<2048x8xf32> to vector<2048xf32>
    %broadcast_in_dim3A_47 = vector.shape_cast %reduce_max3A_46 : vector<2048xf32> to vector<2048x1xf32>
    %eq3A_48 = vector.broadcast %broadcast_in_dim3A_47 : vector<2048x1xf32> to vector<2048x8xf32>
    %eq3A_49 = arith.cmpf oeq, %select_n3A_44, %eq3A_48 : vector<2048x8xf32>
    %jit3A_50 = arith.constant 8 : i32
    %broadcast_in_dim3A_51 = vector.broadcast %jit3A_50 : i32 to vector<2048x8xi32>
    %select_n3A_52 = arith.select %eq3A_49, %iota3A, %broadcast_in_dim3A_51 : vector<2048x8xi1>, vector<2048x8xi32>
    %reduce_min3A_53 = arith.constant dense<2147483647> : vector<2048xi32>
    %reduce_min3A_54 = vector.multi_reduction <minsi>, %select_n3A_52, %reduce_min3A_53 [1] : vector<2048x8xi32> to vector<2048xi32>
    %broadcast_in_dim3A_55 = vector.shape_cast %reduce_min3A_54 : vector<2048xi32> to vector<2048x1xi32>
    %concatenate3A = tpu.concatenate %broadcast_in_dim3A_39, %broadcast_in_dim3A_55 in 1 : vector<2048x1xi32>, vector<2048x1xi32> -> vector<2048x2xi32>
    %swap3A = arith.constant 0 : index
    %swap3A_56 = arith.constant 0 : index
    %swap3A_57 = vector.load %arg5[%swap3A, %swap3A_56] : memref<2048x2xi32, #tpu.memory_space<vmem>>, vector<2048x2xi32>
    tpu.vector_store %arg5[%swap3A, %swap3A_56], %concatenate3A {strides = array<i32>} : memref<2048x2xi32, #tpu.memory_space<vmem>>, vector<2048x2xi32>,
    %concatenate3A_58 = tpu.concatenate %broadcast_in_dim3A_34, %broadcast_in_dim3A_47 in 1 : vector<2048x1xf32>, vector<2048x1xf32> -> vector<2048x2xf32>
    %swap3A_59 = arith.constant 0 : index
    %swap3A_60 = arith.constant 0 : index
    %swap3A_61 = vector.load %arg6[%swap3A_59, %swap3A_60] : memref<2048x2xf32, #tpu.memory_space<vmem>>, vector<2048x2xf32>
    tpu.vector_store %arg6[%swap3A_59, %swap3A_60], %concatenate3A_58 {strides = array<i32>} : memref<2048x2xf32, #tpu.memory_space<vmem>>, vector<2048x2xf32>,
    %reduce_sum3A_62 = arith.constant dense<0.000000e+00> : vector<8xf32>
    %reduce_sum3A_63 = vector.multi_reduction <add>, %div3A_31, %reduce_sum3A_62 [0] : vector<2048x8xf32> to vector<8xf32>
    %broadcast_in_dim3A_64 = vector.shape_cast %reduce_sum3A_63 : vector<8xf32> to vector<1x8xf32>
    %div3A_65 = arith.constant 2.048000e+03 : f32
    %div3A_66 = vector.broadcast %div3A_65 : f32 to vector<1x8xf32>
    %div3A_67 = arith.divf %broadcast_in_dim3A_64, %div3A_66 : vector<1x8xf32>
    %mul3A_68 = arith.mulf %div3A_67, %div3A_67 : vector<1x8xf32>
    %reduce_sum3A_69 = arith.constant dense<0.000000e+00> : vector<1xf32>
    %reduce_sum3A_70 = vector.multi_reduction <add>, %mul3A_68, %reduce_sum3A_69 [1] : vector<1x8xf32> to vector<1xf32>
    %broadcast_in_dim3A_71 = vector.shape_cast %reduce_sum3A_70 : vector<1xf32> to vector<1x1xf32>
    %mul3A_72 = arith.constant 8.000000e-02 : f32
    %mul3A_73 = vector.broadcast %mul3A_72 : f32 to vector<1x1xf32>
    %mul3A_74 = arith.mulf %broadcast_in_dim3A_71, %mul3A_73 : vector<1x1xf32>
    %swap3A_75 = arith.constant 0 : index
    %swap3A_76 = arith.constant 0 : index
    %swap3A_77 = vector.load %arg7[%swap3A_75, %swap3A_76] : memref<1x1xf32, #tpu.memory_space<vmem>>, vector<1x1xf32>
    tpu.vector_store %arg7[%swap3A_75, %swap3A_76], %mul3A_74 {strides = array<i32>} : memref<1x1xf32, #tpu.memory_space<vmem>>, vector<1x1xf32>,
    return
  }
}

module attributes {stable_mosaic.version = 14 : i64} {
  func.func @_ffn_kernel(%arg0: i32, %arg1: memref<20xi32, #tpu.memory_space<smem>>, %arg2: memref<512x1024xbf16, #tpu.memory_space<vmem>>, %arg3: memref<1x2048x1024xbf16, #tpu.memory_space<vmem>>, %arg4: memref<1x2048x1024xbf16, #tpu.memory_space<vmem>>, %arg5: memref<1x1024x2048xbf16, #tpu.memory_space<vmem>>, %arg6: memref<512x1024xf32, #tpu.memory_space<vmem>>) attributes {dimension_semantics = [#tpu.dimension_semantics<arbitrary>], iteration_bounds = array<i64: 19>, scalar_prefetch = 1 : i64, scratch_operands = 0 : i64, tpu.core_type = #tpu.core_type<tc>, window_params = [{transform_indices = @transform_0, window_bounds = array<i64: 512, 1024>}, {transform_indices = @transform_1, window_bounds = array<i64: 1, 2048, 1024>}, {transform_indices = @transform_2, window_bounds = array<i64: 1, 2048, 1024>}, {transform_indices = @transform_3, window_bounds = array<i64: 1, 1024, 2048>}, {transform_indices = @transform_4, window_bounds = array<i64: 512, 1024>}]} {
    %get3A = arith.constant 19 : index
    %get3A_0 = memref.load %arg1[%get3A] : memref<20xi32, #tpu.memory_space<smem>>
    %ge3A = arith.constant 15 : i32
    %ge3A_1 = arith.cmpi sge, %arg0, %ge3A : i32
    %lt3A = arith.cmpi slt, %arg0, %get3A_0 : i32
    %or3A = arith.ori %ge3A_1, %lt3A : i1
    %convert_element_type3A = arith.extui %or3A : i1 to i32
    %cond3A = arith.constant 0 : i32
    %cond3A_2 = arith.cmpi ne, %convert_element_type3A, %cond3A : i32
    scf.if %cond3A_2 {
      %get3A_3 = arith.constant 0 : index
      %get3A_4 = arith.constant 0 : index
      %get3A_5 = vector.load %arg2[%get3A_3, %get3A_4] : memref<512x1024xbf16, #tpu.memory_space<vmem>>, vector<512x1024xbf16>
      %get3A_6 = arith.constant 0 : index
      %get3A_7 = arith.constant 0 : index
      %get3A_8 = arith.constant 0 : index
      %get3A_9 = vector.load %arg3[%get3A_6, %get3A_7, %get3A_8] : memref<1x2048x1024xbf16, #tpu.memory_space<vmem>>, vector<1x2048x1024xbf16>
      %get3A_10 = vector.shape_cast %get3A_9 : vector<1x2048x1024xbf16> to vector<2048x1024xbf16>
      %dot_general3A = arith.constant dense<0.000000e+00> : vector<512x2048xf32>
      %dot_general3A_11 = tpu.matmul %get3A_5, %get3A_10, %dot_general3A {dimension_numbers = #tpu.dot_dimension_numbers<[1], [1], [0], [0], [0, 0, 1, 0], [], []>, transpose_lhs_hint = false} : vector<512x1024xbf16>, vector<2048x1024xbf16>, vector<512x2048xf32> -> vector<512x2048xf32>
      %get3A_12 = arith.constant 0 : index
      %get3A_13 = arith.constant 0 : index
      %get3A_14 = arith.constant 0 : index
      %get3A_15 = vector.load %arg4[%get3A_12, %get3A_13, %get3A_14] : memref<1x2048x1024xbf16, #tpu.memory_space<vmem>>, vector<1x2048x1024xbf16>
      %get3A_16 = vector.shape_cast %get3A_15 : vector<1x2048x1024xbf16> to vector<2048x1024xbf16>
      %dot_general3A_17 = arith.constant dense<0.000000e+00> : vector<512x2048xf32>
      %dot_general3A_18 = tpu.matmul %get3A_5, %get3A_16, %dot_general3A_17 {dimension_numbers = #tpu.dot_dimension_numbers<[1], [1], [0], [0], [0, 0, 1, 0], [], []>, transpose_lhs_hint = false} : vector<512x1024xbf16>, vector<2048x1024xbf16>, vector<512x2048xf32> -> vector<512x2048xf32>
      %logistic3A = arith.negf %dot_general3A_11 : vector<512x2048xf32>
      %logistic3A_19 = math.exp %logistic3A : vector<512x2048xf32>
      %logistic3A_20 = arith.constant 1.000000e+00 : f32
      %logistic3A_21 = vector.broadcast %logistic3A_20 : f32 to vector<512x2048xf32>
      %logistic3A_22 = arith.addf %logistic3A_21, %logistic3A_19 : vector<512x2048xf32>
      %logistic3A_23 = arith.divf %logistic3A_21, %logistic3A_22 : vector<512x2048xf32>
      %mul3A = arith.mulf %dot_general3A_11, %logistic3A_23 : vector<512x2048xf32>
      %mul3A_24 = arith.mulf %mul3A, %dot_general3A_18 : vector<512x2048xf32>
      %convert_element_type3A_25 = arith.truncf %mul3A_24 : vector<512x2048xf32> to vector<512x2048xbf16>
      %get3A_26 = arith.constant 0 : index
      %get3A_27 = arith.constant 0 : index
      %get3A_28 = arith.constant 0 : index
      %get3A_29 = vector.load %arg5[%get3A_26, %get3A_27, %get3A_28] : memref<1x1024x2048xbf16, #tpu.memory_space<vmem>>, vector<1x1024x2048xbf16>
      %get3A_30 = vector.shape_cast %get3A_29 : vector<1x1024x2048xbf16> to vector<1024x2048xbf16>
      %dot_general3A_31 = arith.constant dense<0.000000e+00> : vector<512x1024xf32>
      %dot_general3A_32 = tpu.matmul %convert_element_type3A_25, %get3A_30, %dot_general3A_31 {dimension_numbers = #tpu.dot_dimension_numbers<[1], [1], [0], [0], [0, 0, 1, 0], [], []>, transpose_lhs_hint = false} : vector<512x2048xbf16>, vector<1024x2048xbf16>, vector<512x1024xf32> -> vector<512x1024xf32>
      %swap3A = arith.constant 0 : index
      %swap3A_33 = arith.constant 0 : index
      %swap3A_34 = vector.load %arg6[%swap3A, %swap3A_33] : memref<512x1024xf32, #tpu.memory_space<vmem>>, vector<512x1024xf32>
      tpu.vector_store %arg6[%swap3A, %swap3A_33], %dot_general3A_32 {strides = array<i32>} : memref<512x1024xf32, #tpu.memory_space<vmem>>, vector<512x1024xf32>,
    } else {
    }
    return
  }
  func.func @transform_0(%arg0: i32, %arg1: memref<20xi32, #tpu.memory_space<smem>>) -> (i32, i32) {
    %c0_i32 = arith.constant 0 : i32
    %c0_i32_0 = arith.constant 0 : i32
    return %arg0, %c0_i32 : i32, i32
  }
  func.func @transform_1(%arg0: i32, %arg1: memref<20xi32, #tpu.memory_space<smem>>) -> (i32, i32, i32) {
    %get3A = arith.index_cast %arg0 : i32 to index
    %get3A_0 = memref.load %arg1[%get3A] : memref<20xi32, #tpu.memory_space<smem>>
    %c0_i32 = arith.constant 0 : i32
    %c0_i32_1 = arith.constant 0 : i32
    %c0_i32_2 = arith.constant 0 : i32
    return %get3A_0, %c0_i32, %c0_i32_1 : i32, i32, i32
  }
  func.func @transform_2(%arg0: i32, %arg1: memref<20xi32, #tpu.memory_space<smem>>) -> (i32, i32, i32) {
    %get3A = arith.index_cast %arg0 : i32 to index
    %get3A_0 = memref.load %arg1[%get3A] : memref<20xi32, #tpu.memory_space<smem>>
    %c0_i32 = arith.constant 0 : i32
    %c0_i32_1 = arith.constant 0 : i32
    %c0_i32_2 = arith.constant 0 : i32
    return %get3A_0, %c0_i32, %c0_i32_1 : i32, i32, i32
  }
  func.func @transform_3(%arg0: i32, %arg1: memref<20xi32, #tpu.memory_space<smem>>) -> (i32, i32, i32) {
    %get3A = arith.index_cast %arg0 : i32 to index
    %get3A_0 = memref.load %arg1[%get3A] : memref<20xi32, #tpu.memory_space<smem>>
    %c0_i32 = arith.constant 0 : i32
    %c0_i32_1 = arith.constant 0 : i32
    %c0_i32_2 = arith.constant 0 : i32
    return %get3A_0, %c0_i32, %c0_i32_1 : i32, i32, i32
  }
  func.func @transform_4(%arg0: i32, %arg1: memref<20xi32, #tpu.memory_space<smem>>) -> (i32, i32) {
    %c0_i32 = arith.constant 0 : i32
    %c0_i32_0 = arith.constant 0 : i32
    return %arg0, %c0_i32 : i32, i32
  }
}

</mosaic_0001>

<sc_bundles>
// kernel: gather_offload_async_start.1
scs
__scs_entry_jumppad:
0x0: {  	(pc) =	sbr.rel $0x88, $3  }
0x1: {  	(tag) =	ssettag $0x0;
	lr =	simm.s32 $0x1  }
0x2: {  	[smem:$0x3F96] =	sst lr;
	_ =	strace $0xD0000000  }
0x3: {  	_ = 	snop  }
0x4: {  	_ = 	snop  }
0x5: {  	_ = 	snop  }
0x6: {  	_ = 	snop  }
0x7: {  	_ = 	snop  }
__scs_overlays_trampoline_lowered:
0x8: {  	[smem:$0x3FA5] =	sst s0  }
0x9: {  	[smem:$0x3FA6] =	sst s1  }
0xa: {  	[smem:$0x3FA7] =	sst s2  }
0xb: {  	[smem:$0x3FA8] =	sst s3  }
0xc: {  	[smem:$0x3FA9] =	sst s4  }
0xd: {  	[smem:$0x3FAA] =	sst s5  }
0xe: {  	[smem:$0x3FAB] =	sst s6  }
0xf: {  	[smem:$0x3FAC] =	sst s7  }
0x10: {  	[smem:$0x3FAD] =	sst s8  }
0x11: {  	[smem:$0x3FAE] =	sst s9;
	s0 =	simm.s32 @!p0 $0x0  }
0x12: {  	s1 =	sld [smem:$0x3F94];
	s0 =	simm.s32 @p0 $0x1  }
0x13: {  	[smem:$0x3FAF] =	sst s0;
	s0 =	simm.s32 @!p1 $0x0  }
0x14: {  	s2 =	sld [smem:$0x3F93];
	s0 =	simm.s32 @p1 $0x1  }
0x15: {  	[smem:$0x3FB0] =	sst s0;
	s0 =	simm.s32 @!p2 $0x0  }
0x16: {  	s3 =	sld [smem:$0x3FDB];
	s0 =	simm.s32 @p2 $0x1  }
0x17: {  	s4 =	simm.s32 $0x1BF5;
	[smem:$0x3FB2] =	sst s0  }
0x18: {  	s0 =	sld [smem:$0x3F95];
	_ =	swait.ge [sflag:s4], $0x0  }
0x19: {  	s7 =	sld [smem:$0x3F96]  }
0x1a: {  	s8 =	sadd.s32 $0xFFFFE003, lr  }
0x1b: {  	s9 =	sadd.s32 $0xFFFFFEF7, lr;
	s5 =	simm.s32 $0xFFFFFFFF;
	p2 =	slt.u32 s8, $0xFFFFF086  }
0x1c: {  	p1 =	slt.u32 s9, $0xF7A;
	s5 =	simm.s32 @!p2 $0x0  }
0x1d: {  	s5 =	simm.s32 @p1 $0x1;
	p0 =	seq.s32 s7, s2  }
0x1e: {  	s7 =	smul.u32 @!p0 $0xF7A, s2;
	p2 =	seq.s32 @!p0 s5, $0x0  }
0x1f: {  	s9 =	smul.u32 $0xF7A, s1;
	s8 =	simm.s32 @!p0 $0x1BF5;
	p2 =	por !p2, p0  }
0x20: {  	[sflag:s8] =	ssyncset.s32 @!p0 $0xFFFFF086;
	s6 =	sadd.s32 @!p0 s3, s7;
	s7 =	simm.s32 @!p0 $0x108  }
0x21: {  	s3 =	sadd.s32 s3, s9;
	s6 =	sadd.s32 @!p0 $0x88, s6;
	s7 =	simm.s32 @p2 $0x1082  }
0x22: {  	[simem:s7], [sflag:s8] =	dma.local @!p0 [hbm:s6], $0xF7A  }
0x23: {  	s9 =	sor.u32 $0xD0000000, s2;
	s6 =	simm.s32 $0x108;
	_ =	swait.ge @!p0 [sflag:s8], $0x0  }
0x24: {  	s3 =	sadd.s32 $0x88, s3;
	s6 =	simm.s32 @!p1 $0x1082;
	[sflag:s4] =	ssyncset.s32 $0xFFFFF086  }
0x25: {  	[simem:s6], [sflag:s4] =	dma.local [hbm:s3], $0xF7A  }
0x26: {  	[smem:$0x3F96] =	sst s1;
	(tag) =	ssettag s2;
	_ =	strace s9  }
0x27: {  	s1 =	sld [smem:$0x3FA6]  }
0x28: {  	s2 =	sld [smem:$0x3FA7]  }
0x29: {  	s4 =	sld [smem:$0x3FA9]  }
0x2a: {  	p0 =	seq.s32 s5, $0x0;
	s5 =	sld [smem:$0x3FAA]  }
0x2b: {  	s6 =	sld [smem:$0x3FAB]  }
0x2c: {  	s7 =	sld [smem:$0x3FAC]  }
0x2d: {  	s3 =	simm.s32 $0x108;
	s8 =	sld [smem:$0x3FAD]  }
0x2e: {  	s3 =	simm.s32 @!p0 $0x1082;
	s9 =	sld [smem:$0x3FAE]  }
0x2f: {  	lr =	sadd.s32 s0, s3;
	s0 =	sld [smem:$0x3FA5]  }
0x30: {  	s3 =	sld [smem:$0x3FA8]  }
0x31: {  	[smem:$0x3FB1] =	sst s10  }
0x32: {  	s10 =	sld [smem:$0x3FAF];
	_ =	sdelay $0x3  }
0x33: {  	p0 =	seq.s32 s10, $0x1;
	s10 =	sld [smem:$0x3FB1];
	_ =	sdelay $0x3  }
0x34: {  	[smem:$0x3FB1] =	sst s10  }
0x35: {  	s10 =	sld [smem:$0x3FB0];
	_ =	sdelay $0x3  }
0x36: {  	p1 =	seq.s32 s10, $0x1;
	s10 =	sld [smem:$0x3FB1];
	_ =	sdelay $0x3  }
0x37: {  	[smem:$0x3FB1] =	sst s10  }
0x38: {  	s10 =	sld [smem:$0x3FB2]  }
0x39: {  	_ = 	snop;
	(pc) =	sbr.ind lr, $3  }
0x3a: {  	_ = 	snop  }
0x3b: {  	_ = 	snop  }
0x3c: {  	p2 =	seq.s32 s10, $0x1;
	s10 =	sld [smem:$0x3FB1]  }
0x3d: {  	_ =	shalt  }
0x3e: {  	_ =	shalt  }
0x3f: {  	_ =	shalt  }
0x40: {  	_ =	shalt  }
0x41: {  	_ =	shalt  }
0x42: {  	_ =	shalt  }
0x43: {  	_ =	shalt  }
0x44: {  	_ =	shalt  }
0x45: {  	_ =	shalt  }
0x46: {  	_ =	shalt  }
0x47: {  	_ =	shalt  }
0x48: {  	_ =	shalt  }
0x49: {  	_ =	shalt  }
0x4a: {  	_ =	shalt  }
0x4b: {  	_ =	shalt  }
0x4c: {  	_ =	shalt  }
0x4d: {  	_ =	shalt  }
0x4e: {  	_ =	shalt  }
0x4f: {  	_ =	shalt  }
0x50: {  	_ =	shalt  }
0x51: {  	_ =	shalt  }
0x52: {  	_ =	shalt  }
0x53: {  	_ =	shalt  }
0x54: {  	_ =	shalt  }
0x55: {  	_ =	shalt  }
0x56: {  	_ =	shalt  }
0x57: {  	_ =	shalt  }
0x58: {  	_ =	shalt  }
0x59: {  	_ =	shalt  }
0x5a: {  	_ =	shalt  }
0x5b: {  	_ =	shalt  }
0x5c: {  	_ =	shalt  }
0x5d: {  	_ =	shalt  }
0x5e: {  	_ =	shalt  }
0x5f: {  	_ =	shalt  }
0x60: {  	_ =	shalt  }
0x61: {  	_ =	shalt  }
0x62: {  	_ =	shalt  }
0x63: {  	_ =	shalt  }
0x64: {  	_ =	shalt  }
0x65: {  	_ =	shalt  }
0x66: {  	_ =	shalt  }
0x67: {  	_ =	shalt  }
0x68: {  	_ =	shalt  }
0x69: {  	_ =	shalt  }
0x6a: {  	_ =	shalt  }
0x6b: {  	_ =	shalt  }
0x6c: {  	_ =	shalt  }
0x6d: {  	_ =	shalt  }
0x6e: {  	_ =	shalt  }
0x6f: {  	_ =	shalt  }
0x70: {  	_ =	shalt  }
0x71: {  	_ =	shalt  }
0x72: {  	_ =	shalt  }
0x73: {  	_ =	shalt  }
0x74: {  	_ =	shalt  }
0x75: {  	_ =	shalt  }
0x76: {  	_ =	shalt  }
0x77: {  	_ =	shalt  }
0x78: {  	_ =	shalt  }
0x79: {  	_ =	shalt  }
0x7a: {  	_ =	shalt  }
0x7b: {  	_ =	shalt  }
0x7c: {  	_ =	shalt  }
0x7d: {  	_ =	shalt  }
0x7e: {  	_ =	shalt  }
0x7f: {  	_ =	shalt  }
0x80: {  	_ =	shalt  }
0x81: {  	_ =	shalt  }
0x82: {  	_ =	shalt  }
0x83: {  	_ =	shalt  }
0x84: {  	_ =	shalt  }
0x85: {  	_ =	shalt  }
0x86: {  	_ =	shalt  }
0x87: {  	_ =	shalt  }
.Lfunc_end0:
.L_simem_size_0:
called_computation.1_lowered:
.L_overlay_start_0:
0x88: {  	s2 =	sld [smem:$0x3FD9]  }
0x89: {  	s3 =	sld [smem:$0x3FFE];
	_ =	sdelay $0x1  }
0x8a: {  	s1 =	srdreg.scid  }
0x8b: {  	s0 =	sand.u32 $0x1, s1  }
0x8c: {  	s15 =	sshll.u32 s0, $0xA;
	s2 =	sadd.s32 s3, s2  }
0x8d: {  	s2 =	sadd.s32 s2, s15  }
0x8e: {  	[smem:$0x3FBD] =	sst s2  }
0x8f: {  	_ = 	snop  }
0x90: {  	s2 =	sld [smem:$0x3FD0];
	_ =	sdelay $0x2  }
0x91: {  	s16 =	simm.s32 $0xB;
	s4 =	simm.s32 $0x10  }
0x92: {  	[smem:s4], [sflag:s16] =	dma.local [hbm:s2], $0x1  }
0x93: {  	_ =	swait.eq [sflag:s16], $0x1  }
0x94: {  	[sflag:s16] =	ssyncset.done $0x0  }
0x95: {  	[sflag:s16] =	ssyncadd.s32 $0xFFFFFFFF  }
0x96: {  	s17 =	sld [smem:$0x10];
	(tm) =	ssettm $0x1  }
0x97: {  	s18 =	sld [smem:$0x3FFB];
	_ =	sdelay $0x3  }
0x98: {  	_ =	strace s18  }
0x99: {  	s2 =	sld [smem:$0x3FFC];
	_ =	sdelay $0x3  }
0x9a: {  	_ =	strace s2  }
0x9b: {  	s2 =	sld [smem:$0x3FFD];
	_ =	sdelay $0x3  }
0x9c: {  	_ =	strace s2  }
0x9d: {  	_ =	strace $0x8FFFFFFF  }
0x9e: {  	s19 =	sld [smem:$0x3FDB];
	_ =	sdelay $0x1  }
0x9f: {  	s20 =	simm.s32 $_scs_section_size  }
0xa0: {  	s5 =	simm.s32 $_size__tile_overlayer_lowered;
	s6 =	simm.s32 $_tile_overlayer_lowered  }
0xa1: {  	s7 =	simm.s32 $0x1BFF;
	s21 =	sshll.u32 s6, $0x1;
	s4 =	sadd.s32 s20, s19  }
0xa2: {  	s22 =	simm.s32 $0x0;
	s5 =	sshll.u32 s5, $0x1;
	s6 =	sadd.s32 s21, s4  }
0xa3: {  	[timem:s22], [sflag:s7] =	dma.local [hbm:s6], s5  }
0xa4: {  	_ =	swait.ge [sflag:s7], s5  }
0xa5: {  	s5 =	ssub.s32 $0x0, s5;
	[sflag:s7] =	ssyncset.done $0x0  }
0xa6: {  	[sflag:s7] =	ssyncadd.s32 s5;
	_ =	sdelay $0x1  }
0xa7: {  	s23 =	simm.s32 $0x1B8B  }
0xa8: {  	_ =	swait.ge [sflag:s23], $0x1  }
0xa9: {  	[sflag:s23] =	ssyncset.done $0x0  }
0xaa: {  	[sflag:s23] =	ssyncadd.s32 $0xFFFFFFFF  }
0xab: {  	s5 =	sld [smem:$0x0]  }
0xac: {  	s6 =	sand.u32 $0xFFFFFFFE, s1  }
0xad: {  	p0 =	sne.s32 s1, s6  }
0xae: {  	s6 =	sshll.u32 @p0 s6, $0xE  }
0xaf: {  	s6 =	sadd.s32 @p0 $0x11B8D, s6;
	s7 =	sshll.u32 @p0 s5, $0x11  }
0xb0: {  	s6 =	sor.u32 @p0 s7, s6  }
0xb1: {  	[sflag:s6] =	ssyncadd.remote.s32 @p0 $0x1;
	_ =	sdelay $0x1  }
0xb2: {  	s6 =	simm.s32 @p0 $0x1B8D  }
0xb3: {  	_ =	swait.eq @p0 [sflag:s6], $0x1  }
0xb4: {  	[sflag:s6] =	ssyncadd.s32 @p0 $0xFFFFFFFF  }
0xb5: {  	s7 =	sshll.u32 @!p0 s1, $0xE  }
0xb6: {  	s7 =	sor.u32 @!p0 $0x4000, s7;
	s6 =	simm.s32 @!p0 $0x1B8D  }
0xb7: {  	s5 =	sshll.u32 @!p0 s5, $0x11;
	s7 =	sadd.s32 @!p0 $0x11B8D, s7;
	_ =	swait.eq @!p0 [sflag:s6], $0x1  }
0xb8: {  	s5 =	sor.u32 @!p0 s5, s7;
	[sflag:s6] =	ssyncadd.s32 @!p0 $0xFFFFFFFF  }
0xb9: {  	s25 =	simm.s32 $0x1B8E;
	s24 =	sld [smem:$0x3FFE];
	[sflag:s5] =	ssyncadd.remote.s32 @!p0 $0x1  }
0xba: {  	s26 =	simm.s32 $execute0_lowered;
	[smem:$0x3FD2] =	sst s25  }
0xbb: {  	s6 =	sshll.u32 s26, $0x1;
	_ =	strace $0x80000049;
	[dreg:$0x1] =	wrdreg $0xFFFFFFFF  }
0xbc: {  	s28 =	simm.s32 $_size_execute0_lowered;
	s4 =	sadd.s32 s4, s6;
	[dreg:$0x0] =	wrdreg $0x0  }
0xbd: {  	s6 =	sshll.u32 s28, $0x1;
	[dreg:$0x2] =	wrdreg s4  }
0xbe: {  	[dreg:$0x3] =	wrdreg s6  }
0xbf: {  	[dreg:$0x4] =	wrdreg $0xC0  }
0xc0: {  	_ =	task [dreg:s22], $0x5FFFF  }
0xc1: {  	[dreg:$0x1] =	wrdreg $0xFFFFFFFF  }
0xc2: {  	[dreg:$0x0] =	wrdreg $0x60  }
0xc3: {  	[dreg:$0x2] =	wrdreg s24  }
0xc4: {  	[dreg:$0x3] =	wrdreg s17  }
0xc5: {  	[dreg:$0x4] =	wrdreg $0xA  }
0xc6: {  	_ =	task.clear_ibuf [dreg:s22], $0x5FFFF;
	_ =	strace $0x90000049  }
0xc7: {  	s29 =	simm.s32 $0xA;
	_ =	strace $0x8000004B  }
0xc8: {  	_ =	swait.ge [sflag:s29], $0x1  }
0xc9: {  	[sflag:s29] =	ssyncadd.s32 $0xFFFFFFFF  }
0xca: {  	_ =	strace $0x9000004B  }
0xcb: {  	_ =	sfence  }
0xcc: {  	s30 =	sld [smem:$0x0];
	_ =	sdelay $0x2  }
0xcd: {  	s31 =	sshll.u32 s1, $0xD;
	s1 =	sshrl.u32 s1, $0x2  }
0xce: {  	s4 =	sand.u32 $0x4000, s31;
	s1 =	sadd.s32 s1, s30  }
0xcf: {  	s0 =	sor.u32 s4, s0;
	s1 =	sshll.u32 s1, $0x11  }
0xd0: {  	s0 =	sor.u32 s1, s0  }
0xd1: {  	s0 =	sadd.s32 $0x8F2B, s0  }
0xd2: {  	[sflag:s0] =	ssyncadd.remote.s32 $0x1  }
0xd3: {  	_ =	sfence.sel $0xFFFF  }
0xd4: {  	[dreg:$0x0] =	wrdreg $0xFFFFFFFF;
	(pc) =	sbr.abs _section_cstart, $3  }
0xd5: {  	[dreg:$0x1] =	wrdreg $0xFFFFFFFF  }
0xd6: {  	_ =	task.clear_ibuf [dreg:s22], $0x2FFFF;
	_ =	strace $0x9FFFFFFF  }
0xd7: {  	(tm) =	ssettm $0x7FFFFFFF  }
tec
execute0_lowered:
.L_overlay_start_1:
0x0: {  	(tag) =	ssettag $0x1  }
0x1: {  	s7 =	rddreg [dreg:$0x0]  }
0x2: {  	s2 =	rddreg [dreg:$0x1]  }
0x3: {  	s0 =	rddreg [dreg:$0x2]  }
0x4: {  	s1 =	srdreg.scid;
	_ =	strace $0x8000004A;
	s4 =	simm.s32 $0x1  }
0x5: {  	s9 =	simm.s32 $0x3;
	s11 =	simm.s32 $0x0;
	s5 =	sshll.u32 s1, $0x4  }
.Ltmp0:
0x6: {  	s1 =	stileid.u32;
	s5 =	sand.u32 $0x10, s5;
	(pc) =	sbr.rel .LBB2_1-.Ltmp0, $4  }
0x7: {  	p0 =	por $0x0, $0x0;
	s3 =	sadd.s32 $0x9200, s7;
	s6 =	sor.u32 s1, s5  }
0x8: {  	[sflag:s4] =	ssyncpa.u1 $0x0;
	s5 =	simm.s32 $0x2;
	s6 =	sshll.u32 s6, $0x6  }
0x9: {  	s7 =	sadd.s32 $0x229400, s7;
	[sflag:s5] =	ssyncpa.u1 $0x0;
	s8 =	sadd.s32 $0x40, s6  }
0xa: {  	vm0 =	vmmov $0xff;
	vm1 =	vcmask $0x3F20;
	[sflag:s9] =	ssyncpa.u1 $0x0;
	s10 =	smov.u32 s6;
	s9 =	simm.s32 $0x0  }
.LBB2_9:
0xb: {  	p1 =	slt.u32 s9, $0x2;
	s11 =	sadd.s32 $0x20, s10  }
0xc: {  	s13 =	smov.u32 s6;
	s9 =	sadd.s32 $0x1, s9;
	p2 =	slt.s32 s11, s8  }
0xd: {  	s13 =	smov.u32 @p2 s11;
	p2 =	sne.s32 s9, $0x4  }
.Ltmp1:
0xe: {  	_ = 	snop;
	(pc) =	sbr.rel @!p2 .LBB2_10-.Ltmp1, $4  }
0xf: {  	s12 =	simm.s32 @!p1 $0x3  }
0x10: {  	_ =	swait.ge @!p1 [sflag:s12], $0x8000  }
0x11: {  	p0 =	por !p0, !p0;
	[sflag:s12] =	ssyncset.done @!p1 $0x0  }
0x12: {  	s11 =	smov.u32 s10;
	s10 =	smov.u32 s13;
	[sflag:s12] =	ssyncadd.s32 @!p1 $0xFFFF8000  }
.LBB2_1:
0x13: {  	p1 =	sgt.u32 s9, $0x1  }
0x14: {  	s12 =	sshll.u32 @!p1 s9, $0x5;
	s13 =	sshrl.u32 @!p1 s10, $0x3  }
0x15: {  	s14 =	sand.u32 @!p1 $0x7, s10;
	s12 =	sxor.u32 @!p1 $0x20, s12;
	s13 =	sadd.s32 @!p1 s7, s13  }
0x16: {  	[tilespmem:s12], [sflag:$0x2] =	stream.linear.gather @!p1 [hbm4b:s13+s14], $0x20, $0x38;
	[tilespmem:$0x10040] =	vst v63  }
0x17: {  	p1 =	seq.s32 s9, $0x0  }
0x18: {  	p2 =	seq.s32 @!p1 s9, $0x3  }
0x19: {  	p1 =	por p1, p2  }
.Ltmp2:
0x1a: {  	_ = 	snop;
	(pc) =	sbr.rel @p1 .LBB2_9-.Ltmp2, $1  }
0x1b: {  	_ =	sdelay $0x3  }
0x1c: {  	s12 =	simm.s32 $0x1  }
0x1d: {  	_ =	swait.ge [sflag:s5], $0x20;
	s13 =	sand.u32 $0x1, s9;
	s12 =	simm.s32 @!p0 $0x0  }
0x1e: {  	s15 =	simm.s32 $0x0;
	p2 =	por $0x1, $0x1;
	s12 =	sshll.u32 s12, $0x11  }
0x1f: {  	[sflag:s5] =	ssyncset.done $0x0;
	s13 =	sshll.u32 s13, $0x5;
	s14 =	sshrl.u32 s12, $0x2  }
0x20: {  	[sflag:s5] =	ssyncadd.s32 $0xFFFFFFE0;
	s12 =	sor.u32 $0x40, s14;
	s14 =	sadd.s32 $0x40, s14  }
.LBB2_3:
0x21: {  	s16 =	sshll.u32 s15, $0x4  }
0x22: {  	s16 =	sand.u32 $0x3FFFFFF0, s16  }
0x23: {  	s16 =	sadd.s32 s16, s13  }
0x24: {  	v0 =	vld.msk [tilespmem:s16+$0x0 ss:$0x1], $0xffff;
	_ =	sdelay $0x4  }
0x25: {  	vm2 =	vgt.s32 v0, $0x0  }
0x26: {  	v0 =	vnsel vm2, $0x0, v0  }
0x27: {  	v0 =	vmin.u32 v0, $0x25FF  }
0x28: {  	v1 =	vshll.u32 v0, $0x7;
	v0 =	vshll.u32 v0, $0x4  }
0x29: {  	v1 =	vand.u32 $0x1FFC00, v1;
	v0 =	vand.u32 $0x70, v0  }
0x2a: {  	v0 =	vor.u32 v0, v1  }
0x2b: {  	s31 =	sshll.u32 s15, $0x10  }
0x2c: {  	s15 =	sshra.s32 s31, $0x2  }
0x2d: {  	s15 =	sadd.s32 s15, s14  }
0x2e: {  	s17 =	sadd.s32 $0x0, s15  }
0x2f: {  	[tilespmem:s17], [sflag:$0x1] =	stream.indirect_vreg.gather [hbm:s3], $0x80, v0, vm0, $0x38;
	[tilespmem:$0x10040] =	vst v63  }
0x30: {  	p1 =	por p2, p2;
	s16 =	simm.s32 $0x1000;
	v1 =	vadd.s32 $0x80, v0;
	s17 =	sadd.s32 $0x2000, s17  }
.LBB2_4:
0x31: {  	[tilespmem:s17], [sflag:$0x1] =	stream.indirect_vreg.gather [hbm:s3], $0x80, v0, vm1, $0x38;
	[tilespmem:$0x10040] =	vst v63  }
0x32: {  	v0 =	vmov v1;
	s17 =	smov.u32 s16;
	p2 =	sne.s32 s16, $0x7000  }
.Ltmp3:
0x33: {  	s16 =	sadd.s32 $0x1000, s16;
	(pc) =	sbr.rel @p2 .LBB2_4-.Ltmp3, $4  }
0x34: {  	s17 =	sshra.s32 s17, $0x2  }
0x35: {  	s17 =	sadd.s32 s17, s15  }
0x36: {  	[tilespmem:s17], [sflag:$0x1] =	stream.indirect_vreg.gather [hbm:s3], $0x80, v1, vm0, $0x38;
	[tilespmem:$0x10040] =	vst v63  }
0x37: {  	s17 =	sadd.s32 $0x2000, s17;
	v1 =	vadd.s32 $0x80, v1  }
0x38: {  	_ = 	snop  }
.Ltmp4:
0x39: {  	_ = 	snop;
	(pc) =	sbr.rel @p1 .LBB2_3-.Ltmp4, $3  }
0x3a: {  	_ =	sdelay $0x1  }
0x3b: {  	[tilespmem:s17], [sflag:$0x1] =	stream.indirect_vreg.gather [hbm:s3], $0x80, v0, vm1, $0x38;
	[tilespmem:$0x10040] =	vst v63  }
0x3c: {  	s15 =	simm.s32 $0x1;
	p2 =	por $0x0, $0x0  }
0x3d: {  	s13 =	sshll.u32 s11, $0x7  }
0x3e: {  	s31 =	sshll.u32 s11, $0x4;
	s13 =	sand.u32 $0xFFFFFC00, s13  }
0x3f: {  	_ =	swait.ge [sflag:s4], $0x8000;
	s11 =	sand.u32 $0x70, s31;
	s13 =	sadd.s32 s13, s2  }
0x40: {  	s14 =	sadd.s32 $0x2000, s12;
	[sflag:s4] =	ssyncset.done $0x0;
	s11 =	sadd.s32 s11, s13  }
0x41: {  	[sflag:s4] =	ssyncadd.s32 $0xFFFF8000;
	s13 =	simm.s32 $0x400;
	s15 =	sadd.s32 $0x0, s11  }
.LBB2_7:
0x42: {  	[hbm:s15] =	stream.linear.scatter [tilespmem:s12], [sflag:$0x3], $0x2000, $0x38;
	[tilespmem:$0x10040] =	vst v63  }
0x43: {  	s15 =	smov.u32 s13;
	s12 =	smov.u32 s14;
	p1 =	sne.s32 s13, $0xC00  }
.Ltmp5:
0x44: {  	s13 =	sadd.s32 $0x400, s13;
	(pc) =	sbr.rel @p1 .LBB2_7-.Ltmp5, $2  }
0x45: {  	_ =	sdelay $0x2  }
0x46: {  	s14 =	sadd.s32 $0x2000, s14;
	s15 =	sadd.s32 s15, s11  }
.Ltmp6:
0x47: {  	(pc) =	sbr.rel .LBB2_9-.Ltmp6, $2  }
0x48: {  	_ =	sdelay $0x2  }
0x49: {  	[hbm:s15] =	stream.linear.scatter [tilespmem:s12], [sflag:$0x3], $0x2000, $0x38;
	[tilespmem:$0x10040] =	vst v63  }
.LBB2_10:
0x4a: {  	_ =	sfence.sel $0x180000  }
0x4b: {  	s2 =	simm.s32 $0x2;
	[bflag:$0x0] =	sbarrier.arrive $0xFFFF  }
0x4c: {  	s30 =	simm.s32 $0x3;
	[sflag:s2] =	ssyncpa.u1 $0x1  }
0x4d: {  	s31 =	simm.s32 $0x1;
	[sflag:s30] =	ssyncpa.u1 $0x1  }
0x4e: {  	[sflag:s31] =	ssyncpa.u1 $0x1  }
0x4f: {  	p0 =	sne.s32 s1, $0x0;
	_ =	strace $0x9000004A  }
0x50: {  	s0 =	sadd.s32 @!p0 $0x100000, s0;
	[bflag:$0x2] =	sbarrier.arrive $0xFFFF  }
0x51: {  	[sflag:s0] =	ssyncadd.tile.s32 @!p0 $0x1;
	_ =	shalt  }
.Lfunc_end2:
_tile_overlayer_lowered:
.L_overlay_start_2:
0x52: {  	(tag) =	ssettag $0x2  }
0x53: {  	s0 =	rddreg [dreg:$0x0];
	s2 =	stileid.u32  }
0x54: {  	s1 =	rddreg [dreg:$0x1];
	p0 =	sne.s32 s2, $0x0  }
0x55: {  	s3 =	rddreg [dreg:$0x2];
	[bflag:$0x3] =	sbarrier.arrive $0xFFFF;
	s2 =	simm.s32 @!p0 $0x1C01  }
0x56: {  	[timem:s3], [sflag:s2] =	dma.local @!p0 [hbm:s0], s1  }
0x57: {  	s0 =	simm.s32 @!p0 $0x1  }
0x58: {  	_ =	swait.ge @!p0 [sflag:s0], s1  }
0x59: {  	s1 =	ssub.s32 @!p0 $0x0, s1;
	[sflag:s0] =	ssyncset.done @!p0 $0x0  }
0x5a: {  	[sflag:s0] =	ssyncadd.s32 @!p0 s1  }
0x5b: {  	[bflag:$0x3] =	sbarrier.arrive $0xFFFF  }
0x5c: {  	_ =	shalt  }

// kernel: gather_offload_async_start
scs
__scs_entry_jumppad:
0x0: {  	(pc) =	sbr.rel $0x88, $3  }
0x1: {  	(tag) =	ssettag $0x0;
	lr =	simm.s32 $0x1  }
0x2: {  	[smem:$0x3F96] =	sst lr;
	_ =	strace $0xD0000000  }
0x3: {  	_ = 	snop  }
0x4: {  	_ = 	snop  }
0x5: {  	_ = 	snop  }
0x6: {  	_ = 	snop  }
0x7: {  	_ = 	snop  }
__scs_overlays_trampoline_lowered:
0x8: {  	[smem:$0x3FA5] =	sst s0  }
0x9: {  	[smem:$0x3FA6] =	sst s1  }
0xa: {  	[smem:$0x3FA7] =	sst s2  }
0xb: {  	[smem:$0x3FA8] =	sst s3  }
0xc: {  	[smem:$0x3FA9] =	sst s4  }
0xd: {  	[smem:$0x3FAA] =	sst s5  }
0xe: {  	[smem:$0x3FAB] =	sst s6  }
0xf: {  	[smem:$0x3FAC] =	sst s7  }
0x10: {  	[smem:$0x3FAD] =	sst s8  }
0x11: {  	[smem:$0x3FAE] =	sst s9;
	s0 =	simm.s32 @!p0 $0x0  }
0x12: {  	s1 =	sld [smem:$0x3F94];
	s0 =	simm.s32 @p0 $0x1  }
0x13: {  	[smem:$0x3FAF] =	sst s0;
	s0 =	simm.s32 @!p1 $0x0  }
0x14: {  	s2 =	sld [smem:$0x3F93];
	s0 =	simm.s32 @p1 $0x1  }
0x15: {  	[smem:$0x3FB0] =	sst s0;
	s0 =	simm.s32 @!p2 $0x0  }
0x16: {  	s3 =	sld [smem:$0x3FDB];
	s0 =	simm.s32 @p2 $0x1  }
0x17: {  	s4 =	simm.s32 $0x1BF5;
	[smem:$0x3FB2] =	sst s0  }
0x18: {  	s0 =	sld [smem:$0x3F95];
	_ =	swait.ge [sflag:s4], $0x0  }
0x19: {  	s7 =	sld [smem:$0x3F96]  }
0x1a: {  	s8 =	sadd.s32 $0xFFFFE003, lr  }
0x1b: {  	s9 =	sadd.s32 $0xFFFFFEF7, lr;
	s5 =	simm.s32 $0xFFFFFFFF;
	p2 =	slt.u32 s8, $0xFFFFF086  }
0x1c: {  	p1 =	slt.u32 s9, $0xF7A;
	s5 =	simm.s32 @!p2 $0x0  }
0x1d: {  	s5 =	simm.s32 @p1 $0x1;
	p0 =	seq.s32 s7, s2  }
0x1e: {  	s7 =	smul.u32 @!p0 $0xF7A, s2;
	p2 =	seq.s32 @!p0 s5, $0x0  }
0x1f: {  	s9 =	smul.u32 $0xF7A, s1;
	s8 =	simm.s32 @!p0 $0x1BF5;
	p2 =	por !p2, p0  }
0x20: {  	[sflag:s8] =	ssyncset.s32 @!p0 $0xFFFFF086;
	s6 =	sadd.s32 @!p0 s3, s7;
	s7 =	simm.s32 @!p0 $0x108  }
0x21: {  	s3 =	sadd.s32 s3, s9;
	s6 =	sadd.s32 @!p0 $0x88, s6;
	s7 =	simm.s32 @p2 $0x1082  }
0x22: {  	[simem:s7], [sflag:s8] =	dma.local @!p0 [hbm:s6], $0xF7A  }
0x23: {  	s9 =	sor.u32 $0xD0000000, s2;
	s6 =	simm.s32 $0x108;
	_ =	swait.ge @!p0 [sflag:s8], $0x0  }
0x24: {  	s3 =	sadd.s32 $0x88, s3;
	s6 =	simm.s32 @!p1 $0x1082;
	[sflag:s4] =	ssyncset.s32 $0xFFFFF086  }
0x25: {  	[simem:s6], [sflag:s4] =	dma.local [hbm:s3], $0xF7A  }
0x26: {  	[smem:$0x3F96] =	sst s1;
	(tag) =	ssettag s2;
	_ =	strace s9  }
0x27: {  	s1 =	sld [smem:$0x3FA6]  }
0x28: {  	s2 =	sld [smem:$0x3FA7]  }
0x29: {  	s4 =	sld [smem:$0x3FA9]  }
0x2a: {  	p0 =	seq.s32 s5, $0x0;
	s5 =	sld [smem:$0x3FAA]  }
0x2b: {  	s6 =	sld [smem:$0x3FAB]  }
0x2c: {  	s7 =	sld [smem:$0x3FAC]  }
0x2d: {  	s3 =	simm.s32 $0x108;
	s8 =	sld [smem:$0x3FAD]  }
0x2e: {  	s3 =	simm.s32 @!p0 $0x1082;
	s9 =	sld [smem:$0x3FAE]  }
0x2f: {  	lr =	sadd.s32 s0, s3;
	s0 =	sld [smem:$0x3FA5]  }
0x30: {  	s3 =	sld [smem:$0x3FA8]  }
0x31: {  	[smem:$0x3FB1] =	sst s10  }
0x32: {  	s10 =	sld [smem:$0x3FAF];
	_ =	sdelay $0x3  }
0x33: {  	p0 =	seq.s32 s10, $0x1;
	s10 =	sld [smem:$0x3FB1];
	_ =	sdelay $0x3  }
0x34: {  	[smem:$0x3FB1] =	sst s10  }
0x35: {  	s10 =	sld [smem:$0x3FB0];
	_ =	sdelay $0x3  }
0x36: {  	p1 =	seq.s32 s10, $0x1;
	s10 =	sld [smem:$0x3FB1];
	_ =	sdelay $0x3  }
0x37: {  	[smem:$0x3FB1] =	sst s10  }
0x38: {  	s10 =	sld [smem:$0x3FB2]  }
0x39: {  	_ = 	snop;
	(pc) =	sbr.ind lr, $3  }
0x3a: {  	_ = 	snop  }
0x3b: {  	_ = 	snop  }
0x3c: {  	p2 =	seq.s32 s10, $0x1;
	s10 =	sld [smem:$0x3FB1]  }
0x3d: {  	_ =	shalt  }
0x3e: {  	_ =	shalt  }
0x3f: {  	_ =	shalt  }
0x40: {  	_ =	shalt  }
0x41: {  	_ =	shalt  }
0x42: {  	_ =	shalt  }
0x43: {  	_ =	shalt  }
0x44: {  	_ =	shalt  }
0x45: {  	_ =	shalt  }
0x46: {  	_ =	shalt  }
0x47: {  	_ =	shalt  }
0x48: {  	_ =	shalt  }
0x49: {  	_ =	shalt  }
0x4a: {  	_ =	shalt  }
0x4b: {  	_ =	shalt  }
0x4c: {  	_ =	shalt  }
0x4d: {  	_ =	shalt  }
0x4e: {  	_ =	shalt  }
0x4f: {  	_ =	shalt  }
0x50: {  	_ =	shalt  }
0x51: {  	_ =	shalt  }
0x52: {  	_ =	shalt  }
0x53: {  	_ =	shalt  }
0x54: {  	_ =	shalt  }
0x55: {  	_ =	shalt  }
0x56: {  	_ =	shalt  }
0x57: {  	_ =	shalt  }
0x58: {  	_ =	shalt  }
0x59: {  	_ =	shalt  }
0x5a: {  	_ =	shalt  }
0x5b: {  	_ =	shalt  }
0x5c: {  	_ =	shalt  }
0x5d: {  	_ =	shalt  }
0x5e: {  	_ =	shalt  }
0x5f: {  	_ =	shalt  }
0x60: {  	_ =	shalt  }
0x61: {  	_ =	shalt  }
0x62: {  	_ =	shalt  }
0x63: {  	_ =	shalt  }
0x64: {  	_ =	shalt  }
0x65: {  	_ =	shalt  }
0x66: {  	_ =	shalt  }
0x67: {  	_ =	shalt  }
0x68: {  	_ =	shalt  }
0x69: {  	_ =	shalt  }
0x6a: {  	_ =	shalt  }
0x6b: {  	_ =	shalt  }
0x6c: {  	_ =	shalt  }
0x6d: {  	_ =	shalt  }
0x6e: {  	_ =	shalt  }
0x6f: {  	_ =	shalt  }
0x70: {  	_ =	shalt  }
0x71: {  	_ =	shalt  }
0x72: {  	_ =	shalt  }
0x73: {  	_ =	shalt  }
0x74: {  	_ =	shalt  }
0x75: {  	_ =	shalt  }
0x76: {  	_ =	shalt  }
0x77: {  	_ =	shalt  }
0x78: {  	_ =	shalt  }
0x79: {  	_ =	shalt  }
0x7a: {  	_ =	shalt  }
0x7b: {  	_ =	shalt  }
0x7c: {  	_ =	shalt  }
0x7d: {  	_ =	shalt  }
0x7e: {  	_ =	shalt  }
0x7f: {  	_ =	shalt  }
0x80: {  	_ =	shalt  }
0x81: {  	_ =	shalt  }
0x82: {  	_ =	shalt  }
0x83: {  	_ =	shalt  }
0x84: {  	_ =	shalt  }
0x85: {  	_ =	shalt  }
0x86: {  	_ =	shalt  }
0x87: {  	_ =	shalt  }
.Lfunc_end0:
.L_simem_size_0:
called_computation_lowered:
.L_overlay_start_0:
0x88: {  	s2 =	sld [smem:$0x3FD9]  }
0x89: {  	s3 =	sld [smem:$0x3FFE];
	_ =	sdelay $0x1  }
0x8a: {  	s1 =	srdreg.scid  }
0x8b: {  	s0 =	sand.u32 $0x1, s1  }
0x8c: {  	s16 =	sshll.u32 s0, $0xA;
	s2 =	sadd.s32 s3, s2  }
0x8d: {  	s2 =	sadd.s32 s2, s16  }
0x8e: {  	[smem:$0x3FBD] =	sst s2  }
0x8f: {  	_ = 	snop  }
0x90: {  	(tm) =	ssettm $0x1  }
0x91: {  	s17 =	sld [smem:$0x3FFB];
	_ =	sdelay $0x3  }
0x92: {  	_ =	strace s17  }
0x93: {  	s2 =	sld [smem:$0x3FFC];
	_ =	sdelay $0x3  }
0x94: {  	_ =	strace s2  }
0x95: {  	s2 =	sld [smem:$0x3FFD];
	_ =	sdelay $0x3  }
0x96: {  	_ =	strace s2  }
0x97: {  	_ =	strace $0x8FFFFFFF  }
0x98: {  	s18 =	sld [smem:$0x3FDB];
	_ =	sdelay $0x1  }
0x99: {  	s19 =	simm.s32 $_scs_section_size  }
0x9a: {  	s4 =	simm.s32 $_size__tile_overlayer_lowered;
	s5 =	simm.s32 $_tile_overlayer_lowered  }
0x9b: {  	s22 =	simm.s32 $0x1BFF;
	s21 =	sshll.u32 s5, $0x1;
	s2 =	sadd.s32 s19, s18  }
0x9c: {  	s6 =	simm.s32 $0x0;
	s20 =	sshll.u32 s4, $0x1;
	s4 =	sadd.s32 s21, s2  }
0x9d: {  	[timem:s6], [sflag:s22] =	dma.local [hbm:s4], s20  }
0x9e: {  	_ =	swait.ge [sflag:s22], s20  }
0x9f: {  	s3 =	ssub.s32 $0x0, s20;
	[sflag:s22] =	ssyncset.done $0x0  }
0xa0: {  	[sflag:s22] =	ssyncadd.s32 s3;
	_ =	sdelay $0x1  }
0xa1: {  	s23 =	simm.s32 $0x1B8B  }
0xa2: {  	_ =	swait.ge [sflag:s23], $0x1  }
0xa3: {  	[sflag:s23] =	ssyncset.done $0x0  }
0xa4: {  	s25 =	simm.s32 $0x1B8E;
	s24 =	sld [smem:$0x3FFE];
	[sflag:s23] =	ssyncadd.s32 $0xFFFFFFFF  }
0xa5: {  	s26 =	simm.s32 $execute0_lowered;
	[smem:$0x3FD2] =	sst s25  }
0xa6: {  	s4 =	sshll.u32 s26, $0x1;
	_ =	strace $0x80000046;
	[dreg:$0x1] =	wrdreg $0xFFFFFFFF  }
0xa7: {  	s28 =	simm.s32 $_size_execute0_lowered;
	s2 =	sadd.s32 s2, s4;
	[dreg:$0x0] =	wrdreg $0x0  }
0xa8: {  	s4 =	sshll.u32 s28, $0x1;
	[dreg:$0x2] =	wrdreg s2  }
0xa9: {  	[dreg:$0x3] =	wrdreg s4  }
0xaa: {  	[dreg:$0x4] =	wrdreg $0xC0  }
0xab: {  	_ =	task [dreg:s6], $0x5FFFF  }
0xac: {  	[dreg:$0x1] =	wrdreg $0xFFFFFFFF  }
0xad: {  	[dreg:$0x0] =	wrdreg $0x60  }
0xae: {  	[dreg:$0x2] =	wrdreg s24  }
0xaf: {  	[dreg:$0x3] =	wrdreg $0x9  }
0xb0: {  	_ =	task.clear_ibuf [dreg:s6], $0x4FFFF;
	_ =	strace $0x90000046  }
0xb1: {  	s29 =	simm.s32 $0x9;
	_ =	strace $0x80000048  }
0xb2: {  	_ =	swait.ge [sflag:s29], $0x1  }
0xb3: {  	[sflag:s29] =	ssyncadd.s32 $0xFFFFFFFF  }
0xb4: {  	_ =	strace $0x90000048  }
0xb5: {  	_ =	sfence  }
0xb6: {  	s30 =	sld [smem:$0x0];
	_ =	sdelay $0x2  }
0xb7: {  	s31 =	sshll.u32 s1, $0xD;
	s1 =	sshrl.u32 s1, $0x2  }
0xb8: {  	s3 =	sand.u32 $0x4000, s31;
	s1 =	sadd.s32 s1, s30  }
0xb9: {  	s0 =	sor.u32 s3, s0;
	s1 =	sshll.u32 s1, $0x11  }
0xba: {  	s0 =	sor.u32 s1, s0  }
0xbb: {  	s0 =	sadd.s32 $0x8F2B, s0  }
0xbc: {  	[sflag:s0] =	ssyncadd.remote.s32 $0x1  }
0xbd: {  	_ =	sfence.sel $0xFFFF  }
0xbe: {  	[dreg:$0x0] =	wrdreg $0xFFFFFFFF;
	(pc) =	sbr.abs _section_cstart, $3  }
0xbf: {  	[dreg:$0x1] =	wrdreg $0xFFFFFFFF  }
0xc0: {  	_ =	task.clear_ibuf [dreg:s6], $0x2FFFF;
	_ =	strace $0x9FFFFFFF  }
0xc1: {  	(tm) =	ssettm $0x7FFFFFFF  }
tec
execute0_lowered:
.L_overlay_start_1:
0x0: {  	(tag) =	ssettag $0x1  }
0x1: {  	s7 =	rddreg [dreg:$0x0]  }
0x2: {  	s0 =	rddreg [dreg:$0x1];
	_ =	strace $0x80000047  }
0x3: {  	s1 =	srdreg.scid;
	s4 =	simm.s32 $0x1;
	s9 =	simm.s32 $0x3  }
0x4: {  	s11 =	simm.s32 $0x0;
	p0 =	por $0x0, $0x0;
	s5 =	sshll.u32 s1, $0x4  }
.Ltmp0:
0x5: {  	s1 =	stileid.u32;
	s5 =	sand.u32 $0x10, s5;
	(pc) =	sbr.rel .LBB2_1-.Ltmp0, $4  }
0x6: {  	s2 =	sadd.s32 $0x9200, s7;
	s3 =	sadd.s32 $0x229200, s7;
	s6 =	sor.u32 s1, s5  }
0x7: {  	[sflag:s4] =	ssyncpa.u1 $0x0;
	s5 =	simm.s32 $0x2;
	s6 =	sshll.u32 s6, $0x6  }
0x8: {  	s7 =	sadd.s32 $0x139200, s7;
	[sflag:s5] =	ssyncpa.u1 $0x0;
	s8 =	sadd.s32 $0x40, s6  }
0x9: {  	vm0 =	vmmov $0xff;
	vm1 =	vcmask $0x3F20;
	[sflag:s9] =	ssyncpa.u1 $0x0;
	s10 =	smov.u32 s6;
	s9 =	simm.s32 $0x0  }
.LBB2_9:
0xa: {  	p1 =	slt.u32 s9, $0x2;
	s11 =	sadd.s32 $0x20, s10  }
0xb: {  	s13 =	smov.u32 s6;
	s9 =	sadd.s32 $0x1, s9;
	p2 =	slt.s32 s11, s8  }
0xc: {  	s13 =	smov.u32 @p2 s11;
	p2 =	sne.s32 s9, $0x4  }
.Ltmp1:
0xd: {  	_ = 	snop;
	(pc) =	sbr.rel @!p2 .LBB2_10-.Ltmp1, $4  }
0xe: {  	s12 =	simm.s32 @!p1 $0x3  }
0xf: {  	_ =	swait.ge @!p1 [sflag:s12], $0x8000  }
0x10: {  	p0 =	por !p0, !p0;
	[sflag:s12] =	ssyncset.done @!p1 $0x0  }
0x11: {  	s11 =	smov.u32 s10;
	s10 =	smov.u32 s13;
	[sflag:s12] =	ssyncadd.s32 @!p1 $0xFFFF8000  }
.LBB2_1:
0x12: {  	p1 =	sgt.u32 s9, $0x1  }
0x13: {  	s12 =	sshll.u32 @!p1 s9, $0x5;
	s13 =	sshrl.u32 @!p1 s10, $0x3  }
0x14: {  	s14 =	sand.u32 @!p1 $0x7, s10;
	s12 =	sxor.u32 @!p1 $0x20, s12;
	s13 =	sadd.s32 @!p1 s3, s13  }
0x15: {  	[tilespmem:s12], [sflag:$0x2] =	stream.linear.gather @!p1 [hbm4b:s13+s14], $0x20, $0x38;
	[tilespmem:$0x10040] =	vst v63  }
0x16: {  	p1 =	seq.s32 s9, $0x0  }
0x17: {  	p2 =	seq.s32 @!p1 s9, $0x3  }
0x18: {  	p1 =	por p1, p2  }
.Ltmp2:
0x19: {  	_ = 	snop;
	(pc) =	sbr.rel @p1 .LBB2_9-.Ltmp2, $1  }
0x1a: {  	_ =	sdelay $0x3  }
0x1b: {  	s12 =	simm.s32 $0x1  }
0x1c: {  	_ =	swait.ge [sflag:s5], $0x20;
	s13 =	sand.u32 $0x1, s9;
	s12 =	simm.s32 @!p0 $0x0  }
0x1d: {  	s15 =	simm.s32 $0x0;
	p2 =	por $0x1, $0x1;
	s12 =	sshll.u32 s12, $0x11  }
0x1e: {  	[sflag:s5] =	ssyncset.done $0x0;
	s13 =	sshll.u32 s13, $0x5;
	s14 =	sshrl.u32 s12, $0x2  }
0x1f: {  	[sflag:s5] =	ssyncadd.s32 $0xFFFFFFE0;
	s12 =	sor.u32 $0x40, s14;
	s14 =	sadd.s32 $0x40, s14  }
.LBB2_3:
0x20: {  	s16 =	sshll.u32 s15, $0x4  }
0x21: {  	s16 =	sand.u32 $0x3FFFFFF0, s16  }
0x22: {  	s16 =	sadd.s32 s16, s13  }
0x23: {  	v0 =	vld.msk [tilespmem:s16+$0x0 ss:$0x1], $0xffff;
	_ =	sdelay $0x4  }
0x24: {  	vm2 =	vgt.s32 v0, $0x0  }
0x25: {  	v0 =	vnsel vm2, $0x0, v0  }
0x26: {  	v0 =	vmin.u32 v0, $0x25FF  }
0x27: {  	v1 =	vshll.u32 v0, $0x7;
	v0 =	vshll.u32 v0, $0x4  }
0x28: {  	v1 =	vand.u32 $0x1FFC00, v1;
	v0 =	vand.u32 $0x70, v0  }
0x29: {  	v0 =	vor.u32 v0, v1  }
0x2a: {  	s31 =	sshll.u32 s15, $0x10  }
0x2b: {  	s15 =	sshra.s32 s31, $0x2  }
0x2c: {  	s15 =	sadd.s32 s15, s14  }
0x2d: {  	s17 =	sadd.s32 $0x0, s15  }
0x2e: {  	[tilespmem:s17], [sflag:$0x1] =	stream.indirect_vreg.gather [hbm:s2], $0x80, v0, vm0, $0x38;
	[tilespmem:$0x10040] =	vst v63  }
0x2f: {  	p1 =	por p2, p2;
	s16 =	simm.s32 $0x1000;
	v1 =	vadd.s32 $0x80, v0;
	s17 =	sadd.s32 $0x2000, s17  }
.LBB2_4:
0x30: {  	[tilespmem:s17], [sflag:$0x1] =	stream.indirect_vreg.gather [hbm:s2], $0x80, v0, vm1, $0x38;
	[tilespmem:$0x10040] =	vst v63  }
0x31: {  	v0 =	vmov v1;
	s17 =	smov.u32 s16;
	p2 =	sne.s32 s16, $0x7000  }
.Ltmp3:
0x32: {  	s16 =	sadd.s32 $0x1000, s16;
	(pc) =	sbr.rel @p2 .LBB2_4-.Ltmp3, $4  }
0x33: {  	s17 =	sshra.s32 s17, $0x2  }
0x34: {  	s17 =	sadd.s32 s17, s15  }
0x35: {  	[tilespmem:s17], [sflag:$0x1] =	stream.indirect_vreg.gather [hbm:s2], $0x80, v1, vm0, $0x38;
	[tilespmem:$0x10040] =	vst v63  }
0x36: {  	s17 =	sadd.s32 $0x2000, s17;
	v1 =	vadd.s32 $0x80, v1  }
0x37: {  	_ = 	snop  }
.Ltmp4:
0x38: {  	_ = 	snop;
	(pc) =	sbr.rel @p1 .LBB2_3-.Ltmp4, $3  }
0x39: {  	_ =	sdelay $0x1  }
0x3a: {  	[tilespmem:s17], [sflag:$0x1] =	stream.indirect_vreg.gather [hbm:s2], $0x80, v0, vm1, $0x38;
	[tilespmem:$0x10040] =	vst v63  }
0x3b: {  	s15 =	simm.s32 $0x1;
	p2 =	por $0x0, $0x0  }
0x3c: {  	s13 =	sshll.u32 s11, $0x7  }
0x3d: {  	s31 =	sshll.u32 s11, $0x4;
	s13 =	sand.u32 $0xFFFFFC00, s13  }
0x3e: {  	_ =	swait.ge [sflag:s4], $0x8000;
	s11 =	sand.u32 $0x70, s31;
	s13 =	sadd.s32 s13, s7  }
0x3f: {  	s14 =	sadd.s32 $0x2000, s12;
	[sflag:s4] =	ssyncset.done $0x0;
	s11 =	sadd.s32 s11, s13  }
0x40: {  	[sflag:s4] =	ssyncadd.s32 $0xFFFF8000;
	s13 =	simm.s32 $0x400;
	s15 =	sadd.s32 $0x0, s11  }
.LBB2_7:
0x41: {  	[hbm:s15] =	stream.linear.scatter [tilespmem:s12], [sflag:$0x3], $0x2000, $0x38;
	[tilespmem:$0x10040] =	vst v63  }
0x42: {  	s15 =	smov.u32 s13;
	s12 =	smov.u32 s14;
	p1 =	sne.s32 s13, $0xC00  }
.Ltmp5:
0x43: {  	s13 =	sadd.s32 $0x400, s13;
	(pc) =	sbr.rel @p1 .LBB2_7-.Ltmp5, $2  }
0x44: {  	_ =	sdelay $0x2  }
0x45: {  	s14 =	sadd.s32 $0x2000, s14;
	s15 =	sadd.s32 s15, s11  }
.Ltmp6:
0x46: {  	(pc) =	sbr.rel .LBB2_9-.Ltmp6, $2  }
0x47: {  	_ =	sdelay $0x2  }
0x48: {  	[hbm:s15] =	stream.linear.scatter [tilespmem:s12], [sflag:$0x3], $0x2000, $0x38;
	[tilespmem:$0x10040] =	vst v63  }
.LBB2_10:
0x49: {  	_ =	sfence.sel $0x180000  }
0x4a: {  	s2 =	simm.s32 $0x2;
	[bflag:$0x0] =	sbarrier.arrive $0xFFFF  }
0x4b: {  	s30 =	simm.s32 $0x3;
	[sflag:s2] =	ssyncpa.u1 $0x1  }
0x4c: {  	s31 =	simm.s32 $0x1;
	[sflag:s30] =	ssyncpa.u1 $0x1  }
0x4d: {  	[sflag:s31] =	ssyncpa.u1 $0x1  }
0x4e: {  	p0 =	sne.s32 s1, $0x0;
	_ =	strace $0x90000047  }
0x4f: {  	s0 =	sadd.s32 @!p0 $0x100000, s0;
	[bflag:$0x2] =	sbarrier.arrive $0xFFFF  }
0x50: {  	[sflag:s0] =	ssyncadd.tile.s32 @!p0 $0x1;
	_ =	shalt  }
.Lfunc_end2:
_tile_overlayer_lowered:
.L_overlay_start_2:
0x51: {  	(tag) =	ssettag $0x2  }
0x52: {  	s0 =	rddreg [dreg:$0x0];
	s2 =	stileid.u32  }
0x53: {  	s1 =	rddreg [dreg:$0x1];
	p0 =	sne.s32 s2, $0x0  }
0x54: {  	s3 =	rddreg [dreg:$0x2];
	[bflag:$0x3] =	sbarrier.arrive $0xFFFF;
	s2 =	simm.s32 @!p0 $0x1C01  }
0x55: {  	[timem:s3], [sflag:s2] =	dma.local @!p0 [hbm:s0], s1  }
0x56: {  	s0 =	simm.s32 @!p0 $0x1  }
0x57: {  	_ =	swait.ge @!p0 [sflag:s0], s1  }
0x58: {  	s1 =	ssub.s32 @!p0 $0x0, s1;
	[sflag:s0] =	ssyncset.done @!p0 $0x0  }
0x59: {  	[sflag:s0] =	ssyncadd.s32 @!p0 s1  }
0x5a: {  	[bflag:$0x3] =	sbarrier.arrive $0xFFFF  }
0x5b: {  	_ =	shalt  }

</sc_bundles>
